<compile_context>
chip_gen: v7x
topology: tpu7x:2x2x1
jax: 0.10.2.dev20260603
libtpu: 0.0.44.dev20260713+nightly
codegen_flags: <defaults>
</compile_context>

<pallas_src>
import functools

import jax
import jax.numpy as jnp
from jax import lax
from jax.experimental import pallas as pl
from jax.experimental.pallas import tpu as pltpu
from jax.experimental.pallas import tpu_sc as plsc

ROWS = 1_000_000
COLS = 64
NC = 2
NS = 16
NW = NC * NS
R = 200
NBLK = ROWS // R
BC = NBLK // NW
REM = NBLK % NW
NPAIRS = BC // 2


def _body(wq, vals, sc, out, codes_b, out_b, sb0, sb1, val_v, sin0, sin1,
          sout0, sout1):
    c = lax.axis_index("c")
    s = lax.axis_index("s")
    wid = s * NC + c

    pltpu.async_copy(vals, val_v, sin0).wait()

    sins = (sin0, sin1)
    souts = (sout0, sout1)

    sbs = (sb0, sb1)

    def start_in(k, buf):
        rs = (k * NW + wid) * R
        pltpu.async_copy(wq.at[pl.ds(rs, R), :], codes_b.at[buf], sins[buf])
        pltpu.async_copy(sc.at[pl.ds(rs, 256)], sbs[buf], sins[buf])

    def wait_in(buf):
        pltpu.make_async_copy(wq.at[pl.ds(0, R), :], codes_b.at[buf],
                              sins[buf]).wait()
        pltpu.make_async_copy(sc.at[pl.ds(0, 256)], sbs[buf],
                              sins[buf]).wait()

    def start_out(k, buf):
        rs = (k * NW + wid) * R
        pltpu.async_copy(out_b.at[buf], out.at[pl.ds(rs, R), :], souts[buf])

    def wait_out(buf):
        pltpu.make_async_copy(out_b.at[buf], out.at[pl.ds(0, R), :],
                              souts[buf]).wait()

    zeros16 = jnp.zeros((16,), jnp.int32)

    def compute(buf):
        @functools.partial(plsc.parallel_loop, 0, R, unroll=8)
        def _rows(r):
            sv = plsc.load_gather(sbs[buf], [zeros16 + r])
            for j in range(COLS // 16):
                codes = codes_b[buf, r, pl.ds(j * 16, 16)]
                out_b[buf, r, pl.ds(j * 16, 16)] = (
                    plsc.load_gather(val_v, [codes]) * sv)

    has_extra = wid < REM

    start_in(0, 0)

    def pair(i, carry):
        k0 = 2 * i
        start_in(k0 + 1, 1)
        wait_in(0)

        @pl.when(i > 0)
        def _():
            wait_out(0)

        compute(0)
        start_out(k0, 0)

        @pl.when(jnp.logical_or(k0 + 2 < BC, has_extra))
        def _():
            start_in(k0 + 2, 0)

        wait_in(1)

        @pl.when(i > 0)
        def _():
            wait_out(1)

        compute(1)
        start_out(k0 + 1, 1)
        return carry

    lax.fori_loop(0, NPAIRS, pair, 0)

    @pl.when(has_extra)
    def _():
        wait_in(0)
        wait_out(0)
        compute(0)
        start_out(BC, 0)

    wait_out(1)
    wait_out(0)


_sc_dequant = functools.partial(
    pl.kernel,
    mesh=plsc.VectorSubcoreMesh(core_axis_name="c", subcore_axis_name="s",
                                num_cores=NC, num_subcores=NS),
    compiler_params=pltpu.CompilerParams(needs_layout_passes=False),
    out_type=jax.ShapeDtypeStruct((ROWS, COLS), jnp.float32),
    scratch_types=[
        pltpu.VMEM((2, R, COLS), jnp.int32),
        pltpu.VMEM((2, R, COLS), jnp.float32),
        pltpu.VMEM((256,), jnp.float32),
        pltpu.VMEM((256,), jnp.float32),
        pltpu.VMEM((128,), jnp.float32),
        pltpu.SemaphoreType.DMA,
        pltpu.SemaphoreType.DMA,
        pltpu.SemaphoreType.DMA,
        pltpu.SemaphoreType.DMA,
    ],
)(_body)


def kernel(weight_q, values, scale):
    scale_padded = jnp.pad(scale.reshape(ROWS), (0, 448))
    values_padded = jnp.pad(values, (0, 112))
    return _sc_dequant(weight_q, values_padded, scale_padded)

# --- scband reference (transcript-rebuilt; emitter-appended) ---
"""Pipeline reference for scband-nfquantized-weights-69389491634676 (READ-ONLY COPY).

The authoritative reference and input builder live on the scoring server;
editing this copy changes nothing except your own understanding.
"""

import jax, jax.numpy as jnp
import numpy as np

# Standard NF4 (NormalFloat-4) codebook values, sorted ascending (16 levels).
NF4_VALUES = jnp.array([
    -1.0, -0.6961928009986877, -0.5250730514526367, -0.39491748809814453,
    -0.28444138169288635, -0.18477343022823334, -0.09105003625154495, 0.0,
    0.07958029955625534, 0.16093020141124725, 0.24611230194568634,
    0.33791524171829224, 0.44070982933044434, 0.5626170039176941,
    0.7229568362236023, 1.0], dtype=jnp.float32)

OUT_FEATURES = 1000000
IN_FEATURES = 64


def setup_inputs(seed: int = 0) -> dict:
    key = jax.random.key(seed)
    k1, k2 = jax.random.split(key)
    # Quantized weight codes: this is the state produced by nf_quant in __init__;
    # forward() only performs dequantization (gather + scale).
    weight_q = jax.random.randint(k1, (OUT_FEATURES, IN_FEATURES), 0, 16, dtype=jnp.int32)
    values = NF4_VALUES  # qscheme.values
    # Per-row absmax-style scale, strictly positive.
    scale = jax.random.uniform(k2, (OUT_FEATURES, 1), dtype=jnp.float32, minval=0.01, maxval=1.0)
    return {"weight_q": weight_q, "values": values, "scale": scale}


def reference(weight_q, values, scale):
    # nf_dequant: qscheme.values[q] * scale, cast to target dtype (float32 here).
    dequant = jnp.take(values, weight_q, axis=0) * scale
    return dequant.astype(jnp.float32)

if __name__ == "__main__":
    import jax
    _d = setup_inputs()
    print(jax.jit(kernel)(*tuple(_d.values())))

</pallas_src>

<mosaic_0001>
#map = affine_map<(d0, d1) -> (0, 0)>
#map1 = affine_map<(d0, d1) -> (0)>
module attributes {stable_mosaic.version = 14 : i64} {
  func.func @_body(%arg0: i32, %arg1: i32, %arg2: memref<1000000x64xi32, #tpu.memory_space<hbm>>, %arg3: memref<128xf32, #tpu.memory_space<hbm>>, %arg4: memref<1000448xf32, #tpu.memory_space<hbm>>, %arg5: memref<1000000x64xf32, #tpu.memory_space<hbm>>, %arg6: memref<2x200x64xi32, #tpu.memory_space<vmem>>, %arg7: memref<2x200x64xf32, #tpu.memory_space<vmem>>, %arg8: memref<256xf32, #tpu.memory_space<vmem>>, %arg9: memref<256xf32, #tpu.memory_space<vmem>>, %arg10: memref<128xf32, #tpu.memory_space<vmem>>, %arg11: memref<!tpu.dma_semaphore, #tpu.memory_space<semaphore_mem>>, %arg12: memref<!tpu.dma_semaphore, #tpu.memory_space<semaphore_mem>>, %arg13: memref<!tpu.dma_semaphore, #tpu.memory_space<semaphore_mem>>, %arg14: memref<!tpu.dma_semaphore, #tpu.memory_space<semaphore_mem>>) attributes {dimension_semantics = [#tpu.dimension_semantics<core_parallel>, #tpu.dimension_semantics<subcore_parallel>], iteration_bounds = array<i64: 2, 16>, scalar_prefetch = 0 : i64, scratch_operands = 9 : i64, tpu.core_type = #tpu.core_type<sc_vector_subcore>, window_params = [{transform_indices = #map}, {transform_indices = #map1}, {transform_indices = #map1}, {transform_indices = #map}]} {
    %mul3A = arith.constant 2 : i32
    %mul3A_0 = arith.muli %arg1, %mul3A : i32
    %add3A = arith.addi %mul3A_0, %arg0 : i32
    tpu.enqueue_dma source(%arg3 : memref<128xf32, #tpu.memory_space<hbm>>) target(%arg10 : memref<128xf32, #tpu.memory_space<vmem>>) target_semaphore(%arg11 : memref<!tpu.dma_semaphore, #tpu.memory_space<semaphore_mem>>)
    tpu.wait_dma2 semaphore(%arg11 : memref<!tpu.dma_semaphore, #tpu.memory_space<semaphore_mem>>) src(%arg3 : memref<128xf32, #tpu.memory_space<hbm>>) dst(%arg10 : memref<128xf32, #tpu.memory_space<vmem>>)
    %broadcast_in_dim3A = arith.constant 0 : i32
    %broadcast_in_dim3A_1 = vector.broadcast %broadcast_in_dim3A : i32 to vector<16xi32>
    %lt3A = arith.constant 8 : i32
    %lt3A_2 = arith.cmpi slt, %add3A, %lt3A : i32
    %add3A_3 = arith.constant 0 : i32
    %add3A_4 = arith.addi %add3A_3, %add3A : i32
    %mul3A_5 = arith.constant 200 : i32
    %mul3A_6 = arith.muli %add3A_4, %mul3A_5 : i32
    %dma_start3A = arith.constant 0 : i32
    %dma_start3A_7 = arith.constant 0 : i32
    %dma_start3A_8 = arith.constant 0 : i32
    %dma_start3A_9 = tpu.memref_slice %arg6[%dma_start3A, %dma_start3A_7, %dma_start3A_8] : memref<2x200x64xi32, #tpu.memory_space<vmem>> -> memref<1x200x64xi32, #tpu.memory_space<vmem>>
    %dma_start3A_10 = tpu.memref_squeeze %dma_start3A_9 : memref<1x200x64xi32, #tpu.memory_space<vmem>> -> memref<200x64xi32, #tpu.memory_space<vmem>>
    %dma_start3A_11 = arith.constant 0 : i32
    %dma_start3A_12 = tpu.memref_slice %arg2[%mul3A_6, %dma_start3A_11] : memref<1000000x64xi32, #tpu.memory_space<hbm>> -> memref<200x64xi32, #tpu.memory_space<hbm>>
    %dma_start3A_13 = arith.constant 0 : i32
    %dma_start3A_14 = arith.constant 0 : i32
    %dma_start3A_15 = tpu.memref_slice %arg6[%dma_start3A, %dma_start3A_13, %dma_start3A_14] : memref<2x200x64xi32, #tpu.memory_space<vmem>> -> memref<1x200x64xi32, #tpu.memory_space<vmem>>
    %dma_start3A_16 = tpu.memref_squeeze %dma_start3A_15 : memref<1x200x64xi32, #tpu.memory_space<vmem>> -> memref<200x64xi32, #tpu.memory_space<vmem>>
    %dma_start3A_17 = arith.constant 0 : i32
    %dma_start3A_18 = tpu.memref_slice %arg2[%mul3A_6, %dma_start3A_17] : memref<1000000x64xi32, #tpu.memory_space<hbm>> -> memref<200x64xi32, #tpu.memory_space<hbm>>
    tpu.enqueue_dma source(%dma_start3A_18 : memref<200x64xi32, #tpu.memory_space<hbm>>) target(%dma_start3A_16 : memref<200x64xi32, #tpu.memory_space<vmem>>) target_semaphore(%arg11 : memref<!tpu.dma_semaphore, #tpu.memory_space<semaphore_mem>>)
    %dma_start3A_19 = tpu.memref_slice %arg4[%mul3A_6] : memref<1000448xf32, #tpu.memory_space<hbm>> -> memref<256xf32, #tpu.memory_space<hbm>>
    %dma_start3A_20 = tpu.memref_slice %arg4[%mul3A_6] : memref<1000448xf32, #tpu.memory_space<hbm>> -> memref<256xf32, #tpu.memory_space<hbm>>
    tpu.enqueue_dma source(%dma_start3A_20 : memref<256xf32, #tpu.memory_space<hbm>>) target(%arg8 : memref<256xf32, #tpu.memory_space<vmem>>) target_semaphore(%arg11 : memref<!tpu.dma_semaphore, #tpu.memory_space<semaphore_mem>>)
    %scan3A = arith.constant 0 : i32
    %scan3A_21 = arith.constant 0 : i32
    %scan3A_22 = arith.constant 78 : i32
    %scan3A_23 = arith.addi %scan3A_21, %scan3A_22 : i32
    %scan3A_24 = arith.constant 1 : i32
    scf.for %scan3A_56 = %scan3A_21 to %scan3A_23 step %scan3A_24  : i32 {
      %mul3A_57 = arith.constant 2 : i32
      %mul3A_58 = arith.muli %mul3A_57, %scan3A_56 : i32
      %add3A_59 = arith.constant 1 : i32
      %add3A_60 = arith.addi %mul3A_58, %add3A_59 : i32
      %mul3A_61 = arith.constant 32 : i32
      %mul3A_62 = arith.muli %add3A_60, %mul3A_61 : i32
      %add3A_63 = arith.addi %mul3A_62, %add3A : i32
      %mul3A_64 = arith.constant 200 : i32
      %mul3A_65 = arith.muli %add3A_63, %mul3A_64 : i32
      %dma_start3A_66 = arith.constant 1 : i32
      %dma_start3A_67 = arith.constant 0 : i32
      %dma_start3A_68 = arith.constant 0 : i32
      %dma_start3A_69 = tpu.memref_slice %arg6[%dma_start3A_66, %dma_start3A_67, %dma_start3A_68] : memref<2x200x64xi32, #tpu.memory_space<vmem>> -> memref<1x200x64xi32, #tpu.memory_space<vmem>>
      %dma_start3A_70 = tpu.memref_squeeze %dma_start3A_69 : memref<1x200x64xi32, #tpu.memory_space<vmem>> -> memref<200x64xi32, #tpu.memory_space<vmem>>
      %dma_start3A_71 = arith.constant 0 : i32
      %dma_start3A_72 = tpu.memref_slice %arg2[%mul3A_65, %dma_start3A_71] : memref<1000000x64xi32, #tpu.memory_space<hbm>> -> memref<200x64xi32, #tpu.memory_space<hbm>>
      %dma_start3A_73 = arith.constant 0 : i32
      %dma_start3A_74 = arith.constant 0 : i32
      %dma_start3A_75 = tpu.memref_slice %arg6[%dma_start3A_66, %dma_start3A_73, %dma_start3A_74] : memref<2x200x64xi32, #tpu.memory_space<vmem>> -> memref<1x200x64xi32, #tpu.memory_space<vmem>>
      %dma_start3A_76 = tpu.memref_squeeze %dma_start3A_75 : memref<1x200x64xi32, #tpu.memory_space<vmem>> -> memref<200x64xi32, #tpu.memory_space<vmem>>
      %dma_start3A_77 = arith.constant 0 : i32
      %dma_start3A_78 = tpu.memref_slice %arg2[%mul3A_65, %dma_start3A_77] : memref<1000000x64xi32, #tpu.memory_space<hbm>> -> memref<200x64xi32, #tpu.memory_space<hbm>>
      tpu.enqueue_dma source(%dma_start3A_78 : memref<200x64xi32, #tpu.memory_space<hbm>>) target(%dma_start3A_76 : memref<200x64xi32, #tpu.memory_space<vmem>>) target_semaphore(%arg12 : memref<!tpu.dma_semaphore, #tpu.memory_space<semaphore_mem>>)
      %dma_start3A_79 = tpu.memref_slice %arg4[%mul3A_65] : memref<1000448xf32, #tpu.memory_space<hbm>> -> memref<256xf32, #tpu.memory_space<hbm>>
      %dma_start3A_80 = tpu.memref_slice %arg4[%mul3A_65] : memref<1000448xf32, #tpu.memory_space<hbm>> -> memref<256xf32, #tpu.memory_space<hbm>>
      tpu.enqueue_dma source(%dma_start3A_80 : memref<256xf32, #tpu.memory_space<hbm>>) target(%arg9 : memref<256xf32, #tpu.memory_space<vmem>>) target_semaphore(%arg12 : memref<!tpu.dma_semaphore, #tpu.memory_space<semaphore_mem>>)
      %dma_wait3A_81 = arith.constant 0 : i32
      %dma_wait3A_82 = arith.constant 0 : i32
      %dma_wait3A_83 = arith.constant 0 : i32
      %dma_wait3A_84 = tpu.memref_slice %arg6[%dma_wait3A_81, %dma_wait3A_82, %dma_wait3A_83] : memref<2x200x64xi32, #tpu.memory_space<vmem>> -> memref<1x200x64xi32, #tpu.memory_space<vmem>>
      %dma_wait3A_85 = tpu.memref_squeeze %dma_wait3A_84 : memref<1x200x64xi32, #tpu.memory_space<vmem>> -> memref<200x64xi32, #tpu.memory_space<vmem>>
      %dma_wait3A_86 = arith.constant 0 : i32
      %dma_wait3A_87 = arith.constant 0 : i32
      %dma_wait3A_88 = tpu.memref_slice %arg2[%dma_wait3A_86, %dma_wait3A_87] : memref<1000000x64xi32, #tpu.memory_space<hbm>> -> memref<200x64xi32, #tpu.memory_space<hbm>>
      %dma_wait3A_89 = arith.constant 0 : i32
      %dma_wait3A_90 = arith.constant 0 : i32
      %dma_wait3A_91 = tpu.memref_slice %arg6[%dma_wait3A_81, %dma_wait3A_89, %dma_wait3A_90] : memref<2x200x64xi32, #tpu.memory_space<vmem>> -> memref<1x200x64xi32, #tpu.memory_space<vmem>>
      %dma_wait3A_92 = tpu.memref_squeeze %dma_wait3A_91 : memref<1x200x64xi32, #tpu.memory_space<vmem>> -> memref<200x64xi32, #tpu.memory_space<vmem>>
      %dma_wait3A_93 = arith.constant 0 : i32
      %dma_wait3A_94 = arith.constant 0 : i32
      %dma_wait3A_95 = tpu.memref_slice %arg2[%dma_wait3A_93, %dma_wait3A_94] : memref<1000000x64xi32, #tpu.memory_space<hbm>> -> memref<200x64xi32, #tpu.memory_space<hbm>>
      tpu.wait_dma2 semaphore(%arg11 : memref<!tpu.dma_semaphore, #tpu.memory_space<semaphore_mem>>) src(%dma_wait3A_95 : memref<200x64xi32, #tpu.memory_space<hbm>>) dst(%dma_wait3A_92 : memref<200x64xi32, #tpu.memory_space<vmem>>)
      %dma_wait3A_96 = arith.constant 0 : i32
      %dma_wait3A_97 = tpu.memref_slice %arg4[%dma_wait3A_96] : memref<1000448xf32, #tpu.memory_space<hbm>> -> memref<256xf32, #tpu.memory_space<hbm>>
      %dma_wait3A_98 = arith.constant 0 : i32
      %dma_wait3A_99 = tpu.memref_slice %arg4[%dma_wait3A_98] : memref<1000448xf32, #tpu.memory_space<hbm>> -> memref<256xf32, #tpu.memory_space<hbm>>
      tpu.wait_dma2 semaphore(%arg11 : memref<!tpu.dma_semaphore, #tpu.memory_space<semaphore_mem>>) src(%dma_wait3A_99 : memref<256xf32, #tpu.memory_space<hbm>>) dst(%arg8 : memref<256xf32, #tpu.memory_space<vmem>>)
      %gt3A = arith.constant 0 : i32
      %gt3A_100 = arith.cmpi sgt, %scan3A_56, %gt3A : i32
      %convert_element_type3A_101 = arith.extui %gt3A_100 : i1 to i32
      %cond3A_102 = arith.constant 0 : i32
      %cond3A_103 = arith.cmpi ne, %convert_element_type3A_101, %cond3A_102 : i32
      scf.if %cond3A_103 {
        %dma_wait3A_173 = arith.constant 0 : i32
        %dma_wait3A_174 = arith.constant 0 : i32
        %dma_wait3A_175 = arith.constant 0 : i32
        %dma_wait3A_176 = tpu.memref_slice %arg7[%dma_wait3A_173, %dma_wait3A_174, %dma_wait3A_175] : memref<2x200x64xf32, #tpu.memory_space<vmem>> -> memref<1x200x64xf32, #tpu.memory_space<vmem>>
        %dma_wait3A_177 = tpu.memref_squeeze %dma_wait3A_176 : memref<1x200x64xf32, #tpu.memory_space<vmem>> -> memref<200x64xf32, #tpu.memory_space<vmem>>
        %dma_wait3A_178 = arith.constant 0 : i32
        %dma_wait3A_179 = arith.constant 0 : i32
        %dma_wait3A_180 = tpu.memref_slice %arg5[%dma_wait3A_178, %dma_wait3A_179] : memref<1000000x64xf32, #tpu.memory_space<hbm>> -> memref<200x64xf32, #tpu.memory_space<hbm>>
        %dma_wait3A_181 = arith.constant 0 : i32
        %dma_wait3A_182 = arith.constant 0 : i32
        %dma_wait3A_183 = tpu.memref_slice %arg5[%dma_wait3A_181, %dma_wait3A_182] : memref<1000000x64xf32, #tpu.memory_space<hbm>> -> memref<200x64xf32, #tpu.memory_space<hbm>>
        %dma_wait3A_184 = arith.constant 0 : i32
        %dma_wait3A_185 = arith.constant 0 : i32
        %dma_wait3A_186 = tpu.memref_slice %arg7[%dma_wait3A_173, %dma_wait3A_184, %dma_wait3A_185] : memref<2x200x64xf32, #tpu.memory_space<vmem>> -> memref<1x200x64xf32, #tpu.memory_space<vmem>>
        %dma_wait3A_187 = tpu.memref_squeeze %dma_wait3A_186 : memref<1x200x64xf32, #tpu.memory_space<vmem>> -> memref<200x64xf32, #tpu.memory_space<vmem>>
        tpu.wait_dma2 semaphore(%arg13 : memref<!tpu.dma_semaphore, #tpu.memory_space<semaphore_mem>>) src(%dma_wait3A_187 : memref<200x64xf32, #tpu.memory_space<vmem>>) dst(%dma_wait3A_183 : memref<200x64xf32, #tpu.memory_space<hbm>>)
      } else {
      }
      %mul3A_104 = arith.constant 32 : i32
      %mul3A_105 = arith.muli %mul3A_58, %mul3A_104 : i32
      %add3A_106 = arith.addi %mul3A_105, %add3A : i32
      %mul3A_107 = arith.constant 200 : i32
      %mul3A_108 = arith.muli %add3A_106, %mul3A_107 : i32
      %dma_start3A_109 = arith.constant 0 : i32
      %dma_start3A_110 = arith.constant 0 : i32
      %dma_start3A_111 = arith.constant 0 : i32
      %dma_start3A_112 = tpu.memref_slice %arg7[%dma_start3A_109, %dma_start3A_110, %dma_start3A_111] : memref<2x200x64xf32, #tpu.memory_space<vmem>> -> memref<1x200x64xf32, #tpu.memory_space<vmem>>
      %dma_start3A_113 = tpu.memref_squeeze %dma_start3A_112 : memref<1x200x64xf32, #tpu.memory_space<vmem>> -> memref<200x64xf32, #tpu.memory_space<vmem>>
      %dma_start3A_114 = arith.constant 0 : i32
      %dma_start3A_115 = tpu.memref_slice %arg5[%mul3A_108, %dma_start3A_114] : memref<1000000x64xf32, #tpu.memory_space<hbm>> -> memref<200x64xf32, #tpu.memory_space<hbm>>
      %dma_start3A_116 = arith.constant 0 : i32
      %dma_start3A_117 = tpu.memref_slice %arg5[%mul3A_108, %dma_start3A_116] : memref<1000000x64xf32, #tpu.memory_space<hbm>> -> memref<200x64xf32, #tpu.memory_space<hbm>>
      %dma_start3A_118 = arith.constant 0 : i32
      %dma_start3A_119 = arith.constant 0 : i32
      %dma_start3A_120 = tpu.memref_slice %arg7[%dma_start3A_109, %dma_start3A_118, %dma_start3A_119] : memref<2x200x64xf32, #tpu.memory_space<vmem>> -> memref<1x200x64xf32, #tpu.memory_space<vmem>>
      %dma_start3A_121 = tpu.memref_squeeze %dma_start3A_120 : memref<1x200x64xf32, #tpu.memory_space<vmem>> -> memref<200x64xf32, #tpu.memory_space<vmem>>
      tpu.enqueue_dma source(%dma_start3A_121 : memref<200x64xf32, #tpu.memory_space<vmem>>) target(%dma_start3A_117 : memref<200x64xf32, #tpu.memory_space<hbm>>) target_semaphore(%arg13 : memref<!tpu.dma_semaphore, #tpu.memory_space<semaphore_mem>>)
      %add3A_122 = arith.constant 2 : i32
      %add3A_123 = arith.addi %mul3A_58, %add3A_122 : i32
      %lt3A_124 = arith.constant 156 : i32
      %lt3A_125 = arith.cmpi slt, %add3A_123, %lt3A_124 : i32
      %or3A = arith.ori %lt3A_125, %lt3A_2 : i1
      %convert_element_type3A_126 = arith.extui %or3A : i1 to i32
      %cond3A_127 = arith.constant 0 : i32
      %cond3A_128 = arith.cmpi ne, %convert_element_type3A_126, %cond3A_127 : i32
      scf.if %cond3A_128 {
        %add3A_173 = arith.constant 2 : i32
        %add3A_174 = arith.addi %mul3A_58, %add3A_173 : i32
        %mul3A_175 = arith.constant 32 : i32
        %mul3A_176 = arith.muli %add3A_174, %mul3A_175 : i32
        %add3A_177 = arith.addi %mul3A_176, %add3A : i32
        %mul3A_178 = arith.constant 200 : i32
        %mul3A_179 = arith.muli %add3A_177, %mul3A_178 : i32
        %dma_start3A_180 = arith.constant 0 : i32
        %dma_start3A_181 = arith.constant 0 : i32
        %dma_start3A_182 = arith.constant 0 : i32
        %dma_start3A_183 = tpu.memref_slice %arg6[%dma_start3A_180, %dma_start3A_181, %dma_start3A_182] : memref<2x200x64xi32, #tpu.memory_space<vmem>> -> memref<1x200x64xi32, #tpu.memory_space<vmem>>
        %dma_start3A_184 = tpu.memref_squeeze %dma_start3A_183 : memref<1x200x64xi32, #tpu.memory_space<vmem>> -> memref<200x64xi32, #tpu.memory_space<vmem>>
        %dma_start3A_185 = arith.constant 0 : i32
        %dma_start3A_186 = tpu.memref_slice %arg2[%mul3A_179, %dma_start3A_185] : memref<1000000x64xi32, #tpu.memory_space<hbm>> -> memref<200x64xi32, #tpu.memory_space<hbm>>
        %dma_start3A_187 = arith.constant 0 : i32
        %dma_start3A_188 = arith.constant 0 : i32
        %dma_start3A_189 = tpu.memref_slice %arg6[%dma_start3A_180, %dma_start3A_187, %dma_start3A_188] : memref<2x200x64xi32, #tpu.memory_space<vmem>> -> memref<1x200x64xi32, #tpu.memory_space<vmem>>
        %dma_start3A_190 = tpu.memref_squeeze %dma_start3A_189 : memref<1x200x64xi32, #tpu.memory_space<vmem>> -> memref<200x64xi32, #tpu.memory_space<vmem>>
        %dma_start3A_191 = arith.constant 0 : i32
        %dma_start3A_192 = tpu.memref_slice %arg2[%mul3A_179, %dma_start3A_191] : memref<1000000x64xi32, #tpu.memory_space<hbm>> -> memref<200x64xi32, #tpu.memory_space<hbm>>
        tpu.enqueue_dma source(%dma_start3A_192 : memref<200x64xi32, #tpu.memory_space<hbm>>) target(%dma_start3A_190 : memref<200x64xi32, #tpu.memory_space<vmem>>) target_semaphore(%arg11 : memref<!tpu.dma_semaphore, #tpu.memory_space<semaphore_mem>>)
        %dma_start3A_193 = tpu.memref_slice %arg4[%mul3A_179] : memref<1000448xf32, #tpu.memory_space<hbm>> -> memref<256xf32, #tpu.memory_space<hbm>>
        %dma_start3A_194 = tpu.memref_slice %arg4[%mul3A_179] : memref<1000448xf32, #tpu.memory_space<hbm>> -> memref<256xf32, #tpu.memory_space<hbm>>
        tpu.enqueue_dma source(%dma_start3A_194 : memref<256xf32, #tpu.memory_space<hbm>>) target(%arg8 : memref<256xf32, #tpu.memory_space<vmem>>) target_semaphore(%arg11 : memref<!tpu.dma_semaphore, #tpu.memory_space<semaphore_mem>>)
      } else {
      }
      %dma_wait3A_129 = arith.constant 1 : i32
      %dma_wait3A_130 = arith.constant 0 : i32
      %dma_wait3A_131 = arith.constant 0 : i32
      %dma_wait3A_132 = tpu.memref_slice %arg6[%dma_wait3A_129, %dma_wait3A_130, %dma_wait3A_131] : memref<2x200x64xi32, #tpu.memory_space<vmem>> -> memref<1x200x64xi32, #tpu.memory_space<vmem>>
      %dma_wait3A_133 = tpu.memref_squeeze %dma_wait3A_132 : memref<1x200x64xi32, #tpu.memory_space<vmem>> -> memref<200x64xi32, #tpu.memory_space<vmem>>
      %dma_wait3A_134 = arith.constant 0 : i32
      %dma_wait3A_135 = arith.constant 0 : i32
      %dma_wait3A_136 = tpu.memref_slice %arg2[%dma_wait3A_134, %dma_wait3A_135] : memref<1000000x64xi32, #tpu.memory_space<hbm>> -> memref<200x64xi32, #tpu.memory_space<hbm>>
      %dma_wait3A_137 = arith.constant 0 : i32
      %dma_wait3A_138 = arith.constant 0 : i32
      %dma_wait3A_139 = tpu.memref_slice %arg6[%dma_wait3A_129, %dma_wait3A_137, %dma_wait3A_138] : memref<2x200x64xi32, #tpu.memory_space<vmem>> -> memref<1x200x64xi32, #tpu.memory_space<vmem>>
      %dma_wait3A_140 = tpu.memref_squeeze %dma_wait3A_139 : memref<1x200x64xi32, #tpu.memory_space<vmem>> -> memref<200x64xi32, #tpu.memory_space<vmem>>
      %dma_wait3A_141 = arith.constant 0 : i32
      %dma_wait3A_142 = arith.constant 0 : i32
      %dma_wait3A_143 = tpu.memref_slice %arg2[%dma_wait3A_141, %dma_wait3A_142] : memref<1000000x64xi32, #tpu.memory_space<hbm>> -> memref<200x64xi32, #tpu.memory_space<hbm>>
      tpu.wait_dma2 semaphore(%arg12 : memref<!tpu.dma_semaphore, #tpu.memory_space<semaphore_mem>>) src(%dma_wait3A_143 : memref<200x64xi32, #tpu.memory_space<hbm>>) dst(%dma_wait3A_140 : memref<200x64xi32, #tpu.memory_space<vmem>>)
      %dma_wait3A_144 = arith.constant 0 : i32
      %dma_wait3A_145 = tpu.memref_slice %arg4[%dma_wait3A_144] : memref<1000448xf32, #tpu.memory_space<hbm>> -> memref<256xf32, #tpu.memory_space<hbm>>
      %dma_wait3A_146 = arith.constant 0 : i32
      %dma_wait3A_147 = tpu.memref_slice %arg4[%dma_wait3A_146] : memref<1000448xf32, #tpu.memory_space<hbm>> -> memref<256xf32, #tpu.memory_space<hbm>>
      tpu.wait_dma2 semaphore(%arg12 : memref<!tpu.dma_semaphore, #tpu.memory_space<semaphore_mem>>) src(%dma_wait3A_147 : memref<256xf32, #tpu.memory_space<hbm>>) dst(%arg9 : memref<256xf32, #tpu.memory_space<vmem>>)
      %gt3A_148 = arith.constant 0 : i32
      %gt3A_149 = arith.cmpi sgt, %scan3A_56, %gt3A_148 : i32
      %convert_element_type3A_150 = arith.extui %gt3A_149 : i1 to i32
      %cond3A_151 = arith.constant 0 : i32
      %cond3A_152 = arith.cmpi ne, %convert_element_type3A_150, %cond3A_151 : i32
      scf.if %cond3A_152 {
        %dma_wait3A_173 = arith.constant 1 : i32
        %dma_wait3A_174 = arith.constant 0 : i32
        %dma_wait3A_175 = arith.constant 0 : i32
        %dma_wait3A_176 = tpu.memref_slice %arg7[%dma_wait3A_173, %dma_wait3A_174, %dma_wait3A_175] : memref<2x200x64xf32, #tpu.memory_space<vmem>> -> memref<1x200x64xf32, #tpu.memory_space<vmem>>
        %dma_wait3A_177 = tpu.memref_squeeze %dma_wait3A_176 : memref<1x200x64xf32, #tpu.memory_space<vmem>> -> memref<200x64xf32, #tpu.memory_space<vmem>>
        %dma_wait3A_178 = arith.constant 0 : i32
        %dma_wait3A_179 = arith.constant 0 : i32
        %dma_wait3A_180 = tpu.memref_slice %arg5[%dma_wait3A_178, %dma_wait3A_179] : memref<1000000x64xf32, #tpu.memory_space<hbm>> -> memref<200x64xf32, #tpu.memory_space<hbm>>
        %dma_wait3A_181 = arith.constant 0 : i32
        %dma_wait3A_182 = arith.constant 0 : i32
        %dma_wait3A_183 = tpu.memref_slice %arg5[%dma_wait3A_181, %dma_wait3A_182] : memref<1000000x64xf32, #tpu.memory_space<hbm>> -> memref<200x64xf32, #tpu.memory_space<hbm>>
        %dma_wait3A_184 = arith.constant 0 : i32
        %dma_wait3A_185 = arith.constant 0 : i32
        %dma_wait3A_186 = tpu.memref_slice %arg7[%dma_wait3A_173, %dma_wait3A_184, %dma_wait3A_185] : memref<2x200x64xf32, #tpu.memory_space<vmem>> -> memref<1x200x64xf32, #tpu.memory_space<vmem>>
        %dma_wait3A_187 = tpu.memref_squeeze %dma_wait3A_186 : memref<1x200x64xf32, #tpu.memory_space<vmem>> -> memref<200x64xf32, #tpu.memory_space<vmem>>
        tpu.wait_dma2 semaphore(%arg14 : memref<!tpu.dma_semaphore, #tpu.memory_space<semaphore_mem>>) src(%dma_wait3A_187 : memref<200x64xf32, #tpu.memory_space<vmem>>) dst(%dma_wait3A_183 : memref<200x64xf32, #tpu.memory_space<hbm>>)
      } else {
      }
      %add3A_153 = arith.constant 1 : i32
      %add3A_154 = arith.addi %mul3A_58, %add3A_153 : i32
      %mul3A_155 = arith.constant 32 : i32
      %mul3A_156 = arith.muli %add3A_154, %mul3A_155 : i32
      %add3A_157 = arith.addi %mul3A_156, %add3A : i32
      %mul3A_158 = arith.constant 200 : i32
      %mul3A_159 = arith.muli %add3A_157, %mul3A_158 : i32
      %dma_start3A_160 = arith.constant 1 : i32
      %dma_start3A_161 = arith.constant 0 : i32
      %dma_start3A_162 = arith.constant 0 : i32
      %dma_start3A_163 = tpu.memref_slice %arg7[%dma_start3A_160, %dma_start3A_161, %dma_start3A_162] : memref<2x200x64xf32, #tpu.memory_space<vmem>> -> memref<1x200x64xf32, #tpu.memory_space<vmem>>
      %dma_start3A_164 = tpu.memref_squeeze %dma_start3A_163 : memref<1x200x64xf32, #tpu.memory_space<vmem>> -> memref<200x64xf32, #tpu.memory_space<vmem>>
      %dma_start3A_165 = arith.constant 0 : i32
      %dma_start3A_166 = tpu.memref_slice %arg5[%mul3A_159, %dma_start3A_165] : memref<1000000x64xf32, #tpu.memory_space<hbm>> -> memref<200x64xf32, #tpu.memory_space<hbm>>
      %dma_start3A_167 = arith.constant 0 : i32
      %dma_start3A_168 = tpu.memref_slice %arg5[%mul3A_159, %dma_start3A_167] : memref<1000000x64xf32, #tpu.memory_space<hbm>> -> memref<200x64xf32, #tpu.memory_space<hbm>>
      %dma_start3A_169 = arith.constant 0 : i32
      %dma_start3A_170 = arith.constant 0 : i32
      %dma_start3A_171 = tpu.memref_slice %arg7[%dma_start3A_160, %dma_start3A_169, %dma_start3A_170] : memref<2x200x64xf32, #tpu.memory_space<vmem>> -> memref<1x200x64xf32, #tpu.memory_space<vmem>>
      %dma_start3A_172 = tpu.memref_squeeze %dma_start3A_171 : memref<1x200x64xf32, #tpu.memory_space<vmem>> -> memref<200x64xf32, #tpu.memory_space<vmem>>
      tpu.enqueue_dma source(%dma_start3A_172 : memref<200x64xf32, #tpu.memory_space<vmem>>) target(%dma_start3A_168 : memref<200x64xf32, #tpu.memory_space<hbm>>) target_semaphore(%arg14 : memref<!tpu.dma_semaphore, #tpu.memory_space<semaphore_mem>>)
    }
    %scan3A_25 = arith.constant 78 : i32
    %convert_element_type3A = arith.extui %lt3A_2 : i1 to i32
    %cond3A = arith.constant 0 : i32
    %cond3A_26 = arith.cmpi ne, %convert_element_type3A, %cond3A : i32
    scf.if %cond3A_26 {
      %dma_wait3A_56 = arith.constant 0 : i32
      %dma_wait3A_57 = arith.constant 0 : i32
      %dma_wait3A_58 = arith.constant 0 : i32
      %dma_wait3A_59 = tpu.memref_slice %arg6[%dma_wait3A_56, %dma_wait3A_57, %dma_wait3A_58] : memref<2x200x64xi32, #tpu.memory_space<vmem>> -> memref<1x200x64xi32, #tpu.memory_space<vmem>>
      %dma_wait3A_60 = tpu.memref_squeeze %dma_wait3A_59 : memref<1x200x64xi32, #tpu.memory_space<vmem>> -> memref<200x64xi32, #tpu.memory_space<vmem>>
      %dma_wait3A_61 = arith.constant 0 : i32
      %dma_wait3A_62 = arith.constant 0 : i32
      %dma_wait3A_63 = tpu.memref_slice %arg2[%dma_wait3A_61, %dma_wait3A_62] : memref<1000000x64xi32, #tpu.memory_space<hbm>> -> memref<200x64xi32, #tpu.memory_space<hbm>>
      %dma_wait3A_64 = arith.constant 0 : i32
      %dma_wait3A_65 = arith.constant 0 : i32
      %dma_wait3A_66 = tpu.memref_slice %arg6[%dma_wait3A_56, %dma_wait3A_64, %dma_wait3A_65] : memref<2x200x64xi32, #tpu.memory_space<vmem>> -> memref<1x200x64xi32, #tpu.memory_space<vmem>>
      %dma_wait3A_67 = tpu.memref_squeeze %dma_wait3A_66 : memref<1x200x64xi32, #tpu.memory_space<vmem>> -> memref<200x64xi32, #tpu.memory_space<vmem>>
      %dma_wait3A_68 = arith.constant 0 : i32
      %dma_wait3A_69 = arith.constant 0 : i32
      %dma_wait3A_70 = tpu.memref_slice %arg2[%dma_wait3A_68, %dma_wait3A_69] : memref<1000000x64xi32, #tpu.memory_space<hbm>> -> memref<200x64xi32, #tpu.memory_space<hbm>>
      tpu.wait_dma2 semaphore(%arg11 : memref<!tpu.dma_semaphore, #tpu.memory_space<semaphore_mem>>) src(%dma_wait3A_70 : memref<200x64xi32, #tpu.memory_space<hbm>>) dst(%dma_wait3A_67 : memref<200x64xi32, #tpu.memory_space<vmem>>)
      %dma_wait3A_71 = arith.constant 0 : i32
      %dma_wait3A_72 = tpu.memref_slice %arg4[%dma_wait3A_71] : memref<1000448xf32, #tpu.memory_space<hbm>> -> memref<256xf32, #tpu.memory_space<hbm>>
      %dma_wait3A_73 = arith.constant 0 : i32
      %dma_wait3A_74 = tpu.memref_slice %arg4[%dma_wait3A_73] : memref<1000448xf32, #tpu.memory_space<hbm>> -> memref<256xf32, #tpu.memory_space<hbm>>
      tpu.wait_dma2 semaphore(%arg11 : memref<!tpu.dma_semaphore, #tpu.memory_space<semaphore_mem>>) src(%dma_wait3A_74 : memref<256xf32, #tpu.memory_space<hbm>>) dst(%arg8 : memref<256xf32, #tpu.memory_space<vmem>>)
      %dma_wait3A_75 = arith.constant 0 : i32
      %dma_wait3A_76 = arith.constant 0 : i32
      %dma_wait3A_77 = arith.constant 0 : i32
      %dma_wait3A_78 = tpu.memref_slice %arg7[%dma_wait3A_75, %dma_wait3A_76, %dma_wait3A_77] : memref<2x200x64xf32, #tpu.memory_space<vmem>> -> memref<1x200x64xf32, #tpu.memory_space<vmem>>
      %dma_wait3A_79 = tpu.memref_squeeze %dma_wait3A_78 : memref<1x200x64xf32, #tpu.memory_space<vmem>> -> memref<200x64xf32, #tpu.memory_space<vmem>>
      %dma_wait3A_80 = arith.constant 0 : i32
      %dma_wait3A_81 = arith.constant 0 : i32
      %dma_wait3A_82 = tpu.memref_slice %arg5[%dma_wait3A_80, %dma_wait3A_81] : memref<1000000x64xf32, #tpu.memory_space<hbm>> -> memref<200x64xf32, #tpu.memory_space<hbm>>
      %dma_wait3A_83 = arith.constant 0 : i32
      %dma_wait3A_84 = arith.constant 0 : i32
      %dma_wait3A_85 = tpu.memref_slice %arg5[%dma_wait3A_83, %dma_wait3A_84] : memref<1000000x64xf32, #tpu.memory_space<hbm>> -> memref<200x64xf32, #tpu.memory_space<hbm>>
      %dma_wait3A_86 = arith.constant 0 : i32
      %dma_wait3A_87 = arith.constant 0 : i32
      %dma_wait3A_88 = tpu.memref_slice %arg7[%dma_wait3A_75, %dma_wait3A_86, %dma_wait3A_87] : memref<2x200x64xf32, #tpu.memory_space<vmem>> -> memref<1x200x64xf32, #tpu.memory_space<vmem>>
      %dma_wait3A_89 = tpu.memref_squeeze %dma_wait3A_88 : memref<1x200x64xf32, #tpu.memory_space<vmem>> -> memref<200x64xf32, #tpu.memory_space<vmem>>
      tpu.wait_dma2 semaphore(%arg13 : memref<!tpu.dma_semaphore, #tpu.memory_space<semaphore_mem>>) src(%dma_wait3A_89 : memref<200x64xf32, #tpu.memory_space<vmem>>) dst(%dma_wait3A_85 : memref<200x64xf32, #tpu.memory_space<hbm>>)
      %add3A_90 = arith.constant 4992 : i32
      %add3A_91 = arith.addi %add3A_90, %add3A : i32
      %mul3A_92 = arith.constant 200 : i32
      %mul3A_93 = arith.muli %add3A_91, %mul3A_92 : i32
      %dma_start3A_94 = arith.constant 0 : i32
      %dma_start3A_95 = arith.constant 0 : i32
      %dma_start3A_96 = arith.constant 0 : i32
      %dma_start3A_97 = tpu.memref_slice %arg7[%dma_start3A_94, %dma_start3A_95, %dma_start3A_96] : memref<2x200x64xf32, #tpu.memory_space<vmem>> -> memref<1x200x64xf32, #tpu.memory_space<vmem>>
      %dma_start3A_98 = tpu.memref_squeeze %dma_start3A_97 : memref<1x200x64xf32, #tpu.memory_space<vmem>> -> memref<200x64xf32, #tpu.memory_space<vmem>>
      %dma_start3A_99 = arith.constant 0 : i32
      %dma_start3A_100 = tpu.memref_slice %arg5[%mul3A_93, %dma_start3A_99] : memref<1000000x64xf32, #tpu.memory_space<hbm>> -> memref<200x64xf32, #tpu.memory_space<hbm>>
      %dma_start3A_101 = arith.constant 0 : i32
      %dma_start3A_102 = tpu.memref_slice %arg5[%mul3A_93, %dma_start3A_101] : memref<1000000x64xf32, #tpu.memory_space<hbm>> -> memref<200x64xf32, #tpu.memory_space<hbm>>
      %dma_start3A_103 = arith.constant 0 : i32
      %dma_start3A_104 = arith.constant 0 : i32
      %dma_start3A_105 = tpu.memref_slice %arg7[%dma_start3A_94, %dma_start3A_103, %dma_start3A_104] : memref<2x200x64xf32, #tpu.memory_space<vmem>> -> memref<1x200x64xf32, #tpu.memory_space<vmem>>
      %dma_start3A_106 = tpu.memref_squeeze %dma_start3A_105 : memref<1x200x64xf32, #tpu.memory_space<vmem>> -> memref<200x64xf32, #tpu.memory_space<vmem>>
      tpu.enqueue_dma source(%dma_start3A_106 : memref<200x64xf32, #tpu.memory_space<vmem>>) target(%dma_start3A_102 : memref<200x64xf32, #tpu.memory_space<hbm>>) target_semaphore(%arg13 : memref<!tpu.dma_semaphore, #tpu.memory_space<semaphore_mem>>)
    } else {
    }
    %dma_wait3A = arith.constant 1 : i32
    %dma_wait3A_27 = arith.constant 0 : i32
    %dma_wait3A_28 = arith.constant 0 : i32
    %dma_wait3A_29 = tpu.memref_slice %arg7[%dma_wait3A, %dma_wait3A_27, %dma_wait3A_28] : memref<2x200x64xf32, #tpu.memory_space<vmem>> -> memref<1x200x64xf32, #tpu.memory_space<vmem>>
    %dma_wait3A_30 = tpu.memref_squeeze %dma_wait3A_29 : memref<1x200x64xf32, #tpu.memory_space<vmem>> -> memref<200x64xf32, #tpu.memory_space<vmem>>
    %dma_wait3A_31 = arith.constant 0 : i32
    %dma_wait3A_32 = arith.constant 0 : i32
    %dma_wait3A_33 = tpu.memref_slice %arg5[%dma_wait3A_31, %dma_wait3A_32] : memref<1000000x64xf32, #tpu.memory_space<hbm>> -> memref<200x64xf32, #tpu.memory_space<hbm>>
    %dma_wait3A_34 = arith.constant 0 : i32
    %dma_wait3A_35 = arith.constant 0 : i32
    %dma_wait3A_36 = tpu.memref_slice %arg5[%dma_wait3A_34, %dma_wait3A_35] : memref<1000000x64xf32, #tpu.memory_space<hbm>> -> memref<200x64xf32, #tpu.memory_space<hbm>>
    %dma_wait3A_37 = arith.constant 0 : i32
    %dma_wait3A_38 = arith.constant 0 : i32
    %dma_wait3A_39 = tpu.memref_slice %arg7[%dma_wait3A, %dma_wait3A_37, %dma_wait3A_38] : memref<2x200x64xf32, #tpu.memory_space<vmem>> -> memref<1x200x64xf32, #tpu.memory_space<vmem>>
    %dma_wait3A_40 = tpu.memref_squeeze %dma_wait3A_39 : memref<1x200x64xf32, #tpu.memory_space<vmem>> -> memref<200x64xf32, #tpu.memory_space<vmem>>
    tpu.wait_dma2 semaphore(%arg14 : memref<!tpu.dma_semaphore, #tpu.memory_space<semaphore_mem>>) src(%dma_wait3A_40 : memref<200x64xf32, #tpu.memory_space<vmem>>) dst(%dma_wait3A_36 : memref<200x64xf32, #tpu.memory_space<hbm>>)
    %dma_wait3A_41 = arith.constant 0 : i32
    %dma_wait3A_42 = arith.constant 0 : i32
    %dma_wait3A_43 = arith.constant 0 : i32
    %dma_wait3A_44 = tpu.memref_slice %arg7[%dma_wait3A_41, %dma_wait3A_42, %dma_wait3A_43] : memref<2x200x64xf32, #tpu.memory_space<vmem>> -> memref<1x200x64xf32, #tpu.memory_space<vmem>>
    %dma_wait3A_45 = tpu.memref_squeeze %dma_wait3A_44 : memref<1x200x64xf32, #tpu.memory_space<vmem>> -> memref<200x64xf32, #tpu.memory_space<vmem>>
    %dma_wait3A_46 = arith.constant 0 : i32
    %dma_wait3A_47 = arith.constant 0 : i32
    %dma_wait3A_48 = tpu.memref_slice %arg5[%dma_wait3A_46, %dma_wait3A_47] : memref<1000000x64xf32, #tpu.memory_space<hbm>> -> memref<200x64xf32, #tpu.memory_space<hbm>>
    %dma_wait3A_49 = arith.constant 0 : i32
    %dma_wait3A_50 = arith.constant 0 : i32
    %dma_wait3A_51 = tpu.memref_slice %arg5[%dma_wait3A_49, %dma_wait3A_50] : memref<1000000x64xf32, #tpu.memory_space<hbm>> -> memref<200x64xf32, #tpu.memory_space<hbm>>
    %dma_wait3A_52 = arith.constant 0 : i32
    %dma_wait3A_53 = arith.constant 0 : i32
    %dma_wait3A_54 = tpu.memref_slice %arg7[%dma_wait3A_41, %dma_wait3A_52, %dma_wait3A_53] : memref<2x200x64xf32, #tpu.memory_space<vmem>> -> memref<1x200x64xf32, #tpu.memory_space<vmem>>
    %dma_wait3A_55 = tpu.memref_squeeze %dma_wait3A_54 : memref<1x200x64xf32, #tpu.memory_space<vmem>> -> memref<200x64xf32, #tpu.memory_space<vmem>>
    tpu.wait_dma2 semaphore(%arg13 : memref<!tpu.dma_semaphore, #tpu.memory_space<semaphore_mem>>) src(%dma_wait3A_55 : memref<200x64xf32, #tpu.memory_space<vmem>>) dst(%dma_wait3A_51 : memref<200x64xf32, #tpu.memory_space<hbm>>)
    return
  }
}

</mosaic_0001>

<sc_bundles>
// kernel: kernel.3.cloned.1.call-start
scs
__scs_entry_jumppad:
0x0: {  	(pc) =	sbr.rel $0x88, $3  }
0x1: {  	(tag) =	ssettag $0x0;
	lr =	simm.s32 $0x1  }
0x2: {  	[smem:$0x3F9E] =	sst lr;
	_ =	strace $0xD0000000  }
0x3: {  	_ = 	snop  }
0x4: {  	_ = 	snop  }
0x5: {  	_ = 	snop  }
0x6: {  	_ = 	snop  }
0x7: {  	_ = 	snop  }
__scs_overlays_trampoline_lowered:
0x8: {  	[smem:$0x3FAD] =	sst s0  }
0x9: {  	[smem:$0x3FAE] =	sst s1  }
0xa: {  	[smem:$0x3FAF] =	sst s2  }
0xb: {  	[smem:$0x3FB0] =	sst s3  }
0xc: {  	[smem:$0x3FB1] =	sst s4  }
0xd: {  	[smem:$0x3FB2] =	sst s5  }
0xe: {  	[smem:$0x3FB3] =	sst s6  }
0xf: {  	[smem:$0x3FB4] =	sst s7  }
0x10: {  	[smem:$0x3FB5] =	sst s8  }
0x11: {  	[smem:$0x3FB6] =	sst s9;
	s0 =	simm.s32 @!p0 $0x0  }
0x12: {  	s1 =	sld [smem:$0x3F9C];
	s0 =	simm.s32 @p0 $0x1  }
0x13: {  	[smem:$0x3FB7] =	sst s0;
	s0 =	simm.s32 @!p1 $0x0  }
0x14: {  	s2 =	sld [smem:$0x3F9B];
	s0 =	simm.s32 @p1 $0x1  }
0x15: {  	[smem:$0x3FB8] =	sst s0;
	s0 =	simm.s32 @!p2 $0x0  }
0x16: {  	s3 =	sld [smem:$0x3FDB];
	s0 =	simm.s32 @p2 $0x1  }
0x17: {  	s4 =	simm.s32 $0x1BF5;
	[smem:$0x3FBA] =	sst s0  }
0x18: {  	s0 =	sld [smem:$0x3F9D];
	_ =	swait.ge [sflag:s4], $0x0  }
0x19: {  	s7 =	sld [smem:$0x3F9E]  }
0x1a: {  	s8 =	sadd.s32 $0xFFFFE003, lr  }
0x1b: {  	s9 =	sadd.s32 $0xFFFFFEF7, lr;
	s5 =	simm.s32 $0xFFFFFFFF;
	p2 =	slt.u32 s8, $0xFFFFF086  }
0x1c: {  	p1 =	slt.u32 s9, $0xF7A;
	s5 =	simm.s32 @!p2 $0x0  }
0x1d: {  	s5 =	simm.s32 @p1 $0x1;
	p0 =	seq.s32 s7, s2  }
0x1e: {  	s7 =	smul.u32 @!p0 $0xF7A, s2;
	p2 =	seq.s32 @!p0 s5, $0x0  }
0x1f: {  	s9 =	smul.u32 $0xF7A, s1;
	s8 =	simm.s32 @!p0 $0x1BF5;
	p2 =	por !p2, p0  }
0x20: {  	[sflag:s8] =	ssyncset.s32 @!p0 $0xFFFFF086;
	s6 =	sadd.s32 @!p0 s3, s7;
	s7 =	simm.s32 @!p0 $0x108  }
0x21: {  	s3 =	sadd.s32 s3, s9;
	s6 =	sadd.s32 @!p0 $0x88, s6;
	s7 =	simm.s32 @p2 $0x1082  }
0x22: {  	[simem:s7], [sflag:s8] =	dma.local @!p0 [hbm:s6], $0xF7A  }
0x23: {  	s9 =	sor.u32 $0xD0000000, s2;
	s6 =	simm.s32 $0x108;
	_ =	swait.ge @!p0 [sflag:s8], $0x0  }
0x24: {  	s3 =	sadd.s32 $0x88, s3;
	s6 =	simm.s32 @!p1 $0x1082;
	[sflag:s4] =	ssyncset.s32 $0xFFFFF086  }
0x25: {  	[simem:s6], [sflag:s4] =	dma.local [hbm:s3], $0xF7A  }
0x26: {  	[smem:$0x3F9E] =	sst s1;
	(tag) =	ssettag s2;
	_ =	strace s9  }
0x27: {  	s1 =	sld [smem:$0x3FAE]  }
0x28: {  	s2 =	sld [smem:$0x3FAF]  }
0x29: {  	s4 =	sld [smem:$0x3FB1]  }
0x2a: {  	p0 =	seq.s32 s5, $0x0;
	s5 =	sld [smem:$0x3FB2]  }
0x2b: {  	s6 =	sld [smem:$0x3FB3]  }
0x2c: {  	s7 =	sld [smem:$0x3FB4]  }
0x2d: {  	s3 =	simm.s32 $0x108;
	s8 =	sld [smem:$0x3FB5]  }
0x2e: {  	s3 =	simm.s32 @!p0 $0x1082;
	s9 =	sld [smem:$0x3FB6]  }
0x2f: {  	lr =	sadd.s32 s0, s3;
	s0 =	sld [smem:$0x3FAD]  }
0x30: {  	s3 =	sld [smem:$0x3FB0]  }
0x31: {  	[smem:$0x3FB9] =	sst s10  }
0x32: {  	s10 =	sld [smem:$0x3FB7];
	_ =	sdelay $0x3  }
0x33: {  	p0 =	seq.s32 s10, $0x1;
	s10 =	sld [smem:$0x3FB9];
	_ =	sdelay $0x3  }
0x34: {  	[smem:$0x3FB9] =	sst s10  }
0x35: {  	s10 =	sld [smem:$0x3FB8];
	_ =	sdelay $0x3  }
0x36: {  	p1 =	seq.s32 s10, $0x1;
	s10 =	sld [smem:$0x3FB9];
	_ =	sdelay $0x3  }
0x37: {  	[smem:$0x3FB9] =	sst s10  }
0x38: {  	s10 =	sld [smem:$0x3FBA]  }
0x39: {  	_ = 	snop;
	(pc) =	sbr.ind lr, $3  }
0x3a: {  	_ = 	snop  }
0x3b: {  	_ = 	snop  }
0x3c: {  	p2 =	seq.s32 s10, $0x1;
	s10 =	sld [smem:$0x3FB9]  }
0x3d: {  	_ =	shalt  }
0x3e: {  	_ =	shalt  }
0x3f: {  	_ =	shalt  }
0x40: {  	_ =	shalt  }
0x41: {  	_ =	shalt  }
0x42: {  	_ =	shalt  }
0x43: {  	_ =	shalt  }
0x44: {  	_ =	shalt  }
0x45: {  	_ =	shalt  }
0x46: {  	_ =	shalt  }
0x47: {  	_ =	shalt  }
0x48: {  	_ =	shalt  }
0x49: {  	_ =	shalt  }
0x4a: {  	_ =	shalt  }
0x4b: {  	_ =	shalt  }
0x4c: {  	_ =	shalt  }
0x4d: {  	_ =	shalt  }
0x4e: {  	_ =	shalt  }
0x4f: {  	_ =	shalt  }
0x50: {  	_ =	shalt  }
0x51: {  	_ =	shalt  }
0x52: {  	_ =	shalt  }
0x53: {  	_ =	shalt  }
0x54: {  	_ =	shalt  }
0x55: {  	_ =	shalt  }
0x56: {  	_ =	shalt  }
0x57: {  	_ =	shalt  }
0x58: {  	_ =	shalt  }
0x59: {  	_ =	shalt  }
0x5a: {  	_ =	shalt  }
0x5b: {  	_ =	shalt  }
0x5c: {  	_ =	shalt  }
0x5d: {  	_ =	shalt  }
0x5e: {  	_ =	shalt  }
0x5f: {  	_ =	shalt  }
0x60: {  	_ =	shalt  }
0x61: {  	_ =	shalt  }
0x62: {  	_ =	shalt  }
0x63: {  	_ =	shalt  }
0x64: {  	_ =	shalt  }
0x65: {  	_ =	shalt  }
0x66: {  	_ =	shalt  }
0x67: {  	_ =	shalt  }
0x68: {  	_ =	shalt  }
0x69: {  	_ =	shalt  }
0x6a: {  	_ =	shalt  }
0x6b: {  	_ =	shalt  }
0x6c: {  	_ =	shalt  }
0x6d: {  	_ =	shalt  }
0x6e: {  	_ =	shalt  }
0x6f: {  	_ =	shalt  }
0x70: {  	_ =	shalt  }
0x71: {  	_ =	shalt  }
0x72: {  	_ =	shalt  }
0x73: {  	_ =	shalt  }
0x74: {  	_ =	shalt  }
0x75: {  	_ =	shalt  }
0x76: {  	_ =	shalt  }
0x77: {  	_ =	shalt  }
0x78: {  	_ =	shalt  }
0x79: {  	_ =	shalt  }
0x7a: {  	_ =	shalt  }
0x7b: {  	_ =	shalt  }
0x7c: {  	_ =	shalt  }
0x7d: {  	_ =	shalt  }
0x7e: {  	_ =	shalt  }
0x7f: {  	_ =	shalt  }
0x80: {  	_ =	shalt  }
0x81: {  	_ =	shalt  }
0x82: {  	_ =	shalt  }
0x83: {  	_ =	shalt  }
0x84: {  	_ =	shalt  }
0x85: {  	_ =	shalt  }
0x86: {  	_ =	shalt  }
0x87: {  	_ =	shalt  }
.Lfunc_end0:
.L_simem_size_0:
called_computation_lowered:
.L_overlay_start_0:
0x88: {  	s2 =	sld [smem:$0x3FD9]  }
0x89: {  	s3 =	sld [smem:$0x3FFE];
	_ =	sdelay $0x1  }
0x8a: {  	s1 =	srdreg.scid  }
0x8b: {  	s0 =	sand.u32 $0x1, s1  }
0x8c: {  	s17 =	sshll.u32 s0, $0xA;
	s2 =	sadd.s32 s3, s2  }
0x8d: {  	s2 =	sadd.s32 s2, s17  }
0x8e: {  	[smem:$0x3FC5] =	sst s2  }
0x8f: {  	_ = 	snop  }
0x90: {  	s2 =	sld [smem:$0x3FD0];
	(tm) =	ssettm $0x1  }
0x91: {  	s18 =	sld [smem:$0x3FFB];
	_ =	sdelay $0x3  }
0x92: {  	_ =	strace s18  }
0x93: {  	s3 =	sld [smem:$0x3FFC];
	_ =	sdelay $0x3  }
0x94: {  	_ =	strace s3  }
0x95: {  	s3 =	sld [smem:$0x3FFD];
	_ =	sdelay $0x3  }
0x96: {  	_ =	strace s3  }
0x97: {  	_ =	strace $0x8FFFFFFF  }
0x98: {  	s19 =	sld [smem:$0x3FDB];
	_ =	sdelay $0x1  }
0x99: {  	s4 =	simm.s32 $_scs_section_size  }
0x9a: {  	s5 =	simm.s32 $_size__tile_overlayer_lowered;
	s6 =	simm.s32 $_tile_overlayer_lowered  }
0x9b: {  	s22 =	simm.s32 $0x1BFF;
	s21 =	sshll.u32 s6, $0x1;
	s3 =	sadd.s32 s4, s19  }
0x9c: {  	s7 =	simm.s32 $0x0;
	s20 =	sshll.u32 s5, $0x1;
	s5 =	sadd.s32 s21, s3  }
0x9d: {  	[timem:s7], [sflag:s22] =	dma.local [hbm:s5], s20  }
0x9e: {  	_ =	swait.ge [sflag:s22], s20  }
0x9f: {  	s4 =	ssub.s32 $0x0, s20;
	[sflag:s22] =	ssyncset.done $0x0  }
0xa0: {  	[sflag:s22] =	ssyncadd.s32 s4;
	_ =	sdelay $0x1  }
0xa1: {  	s23 =	simm.s32 $0x1B8B  }
0xa2: {  	_ =	swait.ge [sflag:s23], $0x1  }
0xa3: {  	[sflag:s23] =	ssyncset.done $0x0  }
0xa4: {  	s25 =	simm.s32 $0x1B8E;
	s24 =	sld [smem:$0x3FFE];
	[sflag:s23] =	ssyncadd.s32 $0xFFFFFFFF  }
0xa5: {  	s26 =	simm.s32 $execute0_lowered;
	[smem:$0x3FD2] =	sst s25  }
0xa6: {  	s5 =	sshll.u32 s26, $0x1;
	_ =	strace $0x80000046;
	[dreg:$0x1] =	wrdreg $0xFFFFFFFF  }
0xa7: {  	s28 =	simm.s32 $_size_execute0_lowered;
	s3 =	sadd.s32 s3, s5;
	[dreg:$0x0] =	wrdreg $0x0  }
0xa8: {  	s5 =	sshll.u32 s28, $0x1;
	[dreg:$0x2] =	wrdreg s3  }
0xa9: {  	[dreg:$0x3] =	wrdreg s5  }
0xaa: {  	[dreg:$0x4] =	wrdreg $0xC0  }
0xab: {  	_ =	task [dreg:s7], $0x5FFFF  }
0xac: {  	[dreg:$0x1] =	wrdreg $0xFFFFFFFF  }
0xad: {  	[dreg:$0x0] =	wrdreg $0x60  }
0xae: {  	[dreg:$0x2] =	wrdreg s24  }
0xaf: {  	[dreg:$0x3] =	wrdreg s2  }
0xb0: {  	[dreg:$0x4] =	wrdreg $0x9  }
0xb1: {  	_ =	task.clear_ibuf [dreg:s7], $0x5FFFF;
	_ =	strace $0x90000046  }
0xb2: {  	s29 =	simm.s32 $0x9;
	_ =	strace $0x80000048  }
0xb3: {  	_ =	swait.ge [sflag:s29], $0x1  }
0xb4: {  	[sflag:s29] =	ssyncadd.s32 $0xFFFFFFFF  }
0xb5: {  	_ =	strace $0x90000048  }
0xb6: {  	_ =	sfence  }
0xb7: {  	s30 =	sld [smem:$0x0];
	_ =	sdelay $0x2  }
0xb8: {  	s31 =	sshll.u32 s1, $0xD;
	s1 =	sshrl.u32 s1, $0x2  }
0xb9: {  	s3 =	sand.u32 $0x4000, s31;
	s1 =	sadd.s32 s1, s30  }
0xba: {  	s0 =	sor.u32 s3, s0;
	s1 =	sshll.u32 s1, $0x11  }
0xbb: {  	s0 =	sor.u32 s1, s0  }
0xbc: {  	s0 =	sadd.s32 $0x8F2B, s0  }
0xbd: {  	[sflag:s0] =	ssyncadd.remote.s32 $0x1  }
0xbe: {  	_ =	sfence.sel $0xFFFF  }
0xbf: {  	[dreg:$0x0] =	wrdreg $0xFFFFFFFF;
	(pc) =	sbr.abs _section_cstart, $3  }
0xc0: {  	[dreg:$0x1] =	wrdreg $0xFFFFFFFF  }
0xc1: {  	_ =	task.clear_ibuf [dreg:s7], $0x2FFFF;
	_ =	strace $0x9FFFFFFF  }
0xc2: {  	(tm) =	ssettm $0x7FFFFFFF  }
0xc3: {  	_ =	shalt  }
tec
execute0_lowered:
.L_overlay_start_1:
0x0: {  	(tag) =	ssettag $0x1  }
0x1: {  	s1 =	srdreg.scid;
	s23 =	stileid.u32  }
0x2: {  	s1 =	sand.u32 $0x1, s1;
	s2 =	sshll.u32 s23, $0x1  }
0x3: {  	s18 =	smul.u32 $0x32, s23;
	s2 =	sor.u32 s1, s2  }
0x4: {  	s4 =	smul.u32 $0xC80, s2  }
0x5: {  	s7 =	smul.u32 $0x19, s2  }
0x6: {  	s11 =	rddreg [dreg:$0x0];
	s9 =	smul.u32 $0x6400, s2;
	s10 =	sor.u32 $0x20, s2  }
0x7: {  	s0 =	rddreg [dreg:$0x1];
	s3 =	simm.s32 $0x0;
	s13 =	smul.u32 $0xC80, s10  }
0x8: {  	s28 =	simm.s32 $0x19100;
	s21 =	sor.u32 $0x40, s2;
	s10 =	smul.u32 $0x19, s10  }
0x9: {  	s29 =	simm.s32 $0xC800;
	s30 =	simm.s32 $0x2;
	s24 =	smul.u32 $0xC80, s21  }
0xa: {  	s31 =	simm.s32 $0x12C00;
	s25 =	sor.u32 $0x1360, s2;
	s12 =	smul.u32 $0x19, s21  }
0xb: {  	[smem:$0x7FF] =	sst s3;
	s5 =	sadd.s32 $0x200, s11;
	s26 =	smul.u32 $0xC80, s25  }
0xc: {  	s20 =	sadd.s32 $0xF42600, s11;
	s2 =	sor.u32 $0x1380, s2;
	s17 =	smul.u32 $0x19, s25  }
0xd: {  	p0 =	sgt.u32 s23, $0x3;
	s6 =	ssub.s32 $0x2, s1;
	s21 =	smul.u32 $0xC80, s2  }
0xe: {  	_ =	strace $0x80000047;
	s8 =	sshrl.u32 s6, $0x1;
	s2 =	smul.u32 $0x19, s2  }
0xf: {  	s6 =	ssub.s32 s6, s8;
	s25 =	smul.u32 $0x1900, s23;
	s19 =	sadd.s32 s5, s4  }
0x10: {  	s7 =	sadd.s32 s0, s7;
	s22 =	sshrl.u32 s9, $0x3;
	[dreg:$0x3] =	wrdreg s19  }
0x11: {  	s6 =	smax.u32 s6, $0x1;
	[dreg:$0x4] =	wrdreg s7;
	s7 =	sadd.s32 s20, s22  }
0x12: {  	[dreg:$0x6] =	wrdreg s6;
	s16 =	sadd.s32 s5, s13;
	s19 =	sadd.s32 s0, s10  }
0x13: {  	s10 =	sadd.s32 s20, s4;
	s22 =	sadd.s32 s5, s24;
	s12 =	sadd.s32 s0, s12  }
0x14: {  	s13 =	sadd.s32 s20, s13;
	s14 =	sadd.s32 s5, s26;
	s15 =	sadd.s32 s0, s17  }
0x15: {  	s24 =	smul.u32 $0x19, s1;
	s17 =	sadd.s32 s0, s2;
	s0 =	sadd.s32 s18, s0  }
0x16: {  	s18 =	sadd.s32 s5, s21;
	s1 =	smul.u32 $0xC80, s1;
	[dreg:$0x7] =	wrdreg s16  }
0x17: {  	s2 =	sadd.s32 s25, s20;
	s7 =	sadd.s32 $0xF3C000, s7;
	[dreg:$0x8] =	wrdreg s19  }
0x18: {  	[dreg:$0x9] =	wrdreg s22;
	s16 =	sadd.s32 $0xF0A000, s10;
	s19 =	sadd.s32 s20, s26  }
0x19: {  	s26 =	sadd.s32 s25, s5;
	s25 =	simm.s32 $0x19000;
	[dreg:$0x5] =	wrdreg s7  }
0x1a: {  	s0 =	sadd.s32 s24, s0;
	s21 =	sadd.s32 s1, s26;
	s22 =	sadd.s32 s1, s2  }
0x1b: {  	s24 =	simm.s32 $0x1;
	s26 =	simm.s32 $0x6400;
	s1 =	simm.s32 $0x4  }
0x1c: {  	s2 =	simm.s32 $0x0;
	s20 =	sadd.s32 $0xC80, s0;
	s0 =	simm.s32 $0x3  }
.LBB2_1:
0x1d: {  	s4 =	rddreg [dreg:$0x0];
	s5 =	simm.s32 $0x19200  }
0x1e: {  	[tilespmem:s5], [sflag:$0x1] =	stream.linear.gather [hbm4b:s4+s3], $0x80, $0x38;
	[tilespmem:$0x19280] =	vst v63  }
0x1f: {  	_ =	swait.ge [sflag:s24], $0x80  }
0x20: {  	[sflag:s24] =	ssyncset.done $0x0  }
0x21: {  	s9 =	rddreg [dreg:$0x3];
	[sflag:s24] =	ssyncadd.s32 $0xFFFFFF80  }
0x22: {  	[tilespmem:s3], [sflag:$0x1] =	stream.linear.gather [hbm4b:s9+s3], $0x6400, $0x38;
	[tilespmem:$0x19280] =	vst v63  }
0x23: {  	s11 =	rddreg [dreg:$0x4]  }
0x24: {  	[tilespmem:s25], [sflag:$0x1] =	stream.linear.gather [hbm4b:s11+s3], $0x100, $0x38;
	[tilespmem:$0x19280] =	vst v63  }
0x25: {  	s23 =	rddreg [dreg:$0x7]  }
0x26: {  	[tilespmem:s26], [sflag:$0x2] =	stream.linear.gather [hbm4b:s23+s3], $0x6400, $0x38;
	[tilespmem:$0x19280] =	vst v63  }
0x27: {  	s5 =	rddreg [dreg:$0x8]  }
0x28: {  	[tilespmem:s28], [sflag:$0x2] =	stream.linear.gather [hbm4b:s5+s3], $0x100, $0x38;
	[tilespmem:$0x19280] =	vst v63  }
0x29: {  	_ =	swait.ge [sflag:s24], $0x6400  }
0x2a: {  	[sflag:s24] =	ssyncset.done $0x0  }
0x2b: {  	[sflag:s24] =	ssyncadd.s32 $0xFFFF9C00  }
0x2c: {  	_ =	swait.ge [sflag:s24], $0x100  }
0x2d: {  	[sflag:s24] =	ssyncset.done $0x0  }
0x2e: {  	[sflag:s24] =	ssyncadd.s32 $0xFFFFFF00  }
0x2f: {  	[hbm4b:s10+s3] =	stream.linear.scatter [tilespmem:s29], [sflag:$0x3], $0x6400, $0x38;
	[tilespmem:$0x19280] =	vst v63  }
0x30: {  	s6 =	rddreg [dreg:$0x9]  }
0x31: {  	[tilespmem:s3], [sflag:$0x1] =	stream.linear.gather [hbm4b:s6+s3], $0x6400, $0x38;
	[tilespmem:$0x19280] =	vst v63  }
0x32: {  	_ = 	snop  }
0x33: {  	[tilespmem:s25], [sflag:$0x1] =	stream.linear.gather [hbm4b:s12+s3], $0x100, $0x38;
	[tilespmem:$0x19280] =	vst v63  }
0x34: {  	_ =	swait.ge [sflag:s30], $0x6400  }
0x35: {  	[sflag:s30] =	ssyncset.done $0x0  }
0x36: {  	[sflag:s30] =	ssyncadd.s32 $0xFFFF9C00  }
0x37: {  	_ =	swait.ge [sflag:s30], $0x100  }
0x38: {  	[sflag:s30] =	ssyncset.done $0x0  }
0x39: {  	s7 =	sadd.s32 $0x0, s21;
	[sflag:s30] =	ssyncadd.s32 $0xFFFFFF00  }
0x3a: {  	[hbm4b:s13+s3] =	stream.linear.scatter [tilespmem:s31], [sflag:$0x4], $0x6400, $0x38;
	[tilespmem:$0x19280] =	vst v63  }
0x3b: {  	s8 =	sadd.s32 $0x4B000, s7  }
0x3c: {  	[tilespmem:s26], [sflag:$0x2] =	stream.linear.gather [hbm4b:s8+s3], $0x6400, $0x38;
	[tilespmem:$0x19280] =	vst v63  }
0x3d: {  	s9 =	sadd.s32 $0xFFFFFCE0, s20  }
0x3e: {  	[tilespmem:s28], [sflag:$0x2] =	stream.linear.gather [hbm4b:s9+s3], $0x100, $0x38;
	[tilespmem:$0x19280] =	vst v63  }
0x3f: {  	_ =	swait.ge [sflag:s24], $0x6400  }
0x40: {  	[sflag:s24] =	ssyncset.done $0x0  }
0x41: {  	[sflag:s24] =	ssyncadd.s32 $0xFFFF9C00  }
0x42: {  	_ =	swait.ge [sflag:s24], $0x100  }
0x43: {  	[sflag:s24] =	ssyncset.done $0x0  }
0x44: {  	[sflag:s24] =	ssyncadd.s32 $0xFFFFFF00  }
0x45: {  	_ =	swait.ge [sflag:s0], $0x6400  }
0x46: {  	s11 =	sadd.s32 $0x0, s22;
	[sflag:s0] =	ssyncset.done $0x0  }
0x47: {  	s6 =	sadd.s32 $0x32000, s11;
	[sflag:s0] =	ssyncadd.s32 $0xFFFF9C00  }
0x48: {  	[hbm4b:s6+s3] =	stream.linear.scatter [tilespmem:s29], [sflag:$0x3], $0x6400, $0x38;
	[tilespmem:$0x19280] =	vst v63  }
0x49: {  	s4 =	sadd.s32 $0x64000, s7  }
0x4a: {  	[tilespmem:s3], [sflag:$0x1] =	stream.linear.gather [hbm4b:s4+s3], $0x6400, $0x38;
	[tilespmem:$0x19280] =	vst v63  }
0x4b: {  	_ = 	snop  }
0x4c: {  	[tilespmem:s25], [sflag:$0x1] =	stream.linear.gather [hbm4b:s20+s3], $0x100, $0x38;
	[tilespmem:$0x19280] =	vst v63  }
0x4d: {  	_ =	swait.ge [sflag:s30], $0x6400  }
0x4e: {  	[sflag:s30] =	ssyncset.done $0x0  }
0x4f: {  	[sflag:s30] =	ssyncadd.s32 $0xFFFF9C00  }
0x50: {  	_ =	swait.ge [sflag:s30], $0x100  }
0x51: {  	[sflag:s30] =	ssyncset.done $0x0  }
0x52: {  	[sflag:s30] =	ssyncadd.s32 $0xFFFFFF00  }
0x53: {  	s7 =	sadd.s32 $0x4B000, s11;
	_ =	swait.ge [sflag:s1], $0x6400  }
0x54: {  	s23 =	sadd.s32 $0x32000, s21;
	s5 =	sadd.s32 $0x640, s20;
	[sflag:s1] =	ssyncset.done $0x0  }
0x55: {  	s6 =	simm.s32 $0x64000;
	s4 =	simm.s32 $0x32000;
	[sflag:s1] =	ssyncadd.s32 $0xFFFF9C00  }
.LBB2_2:
0x56: {  	[hbm4b:s7+s3] =	stream.linear.scatter [tilespmem:s31], [sflag:$0x4], $0x6400, $0x38;
	[tilespmem:$0x19280] =	vst v63  }
0x57: {  	s7 =	smov.u32 s6  }
0x58: {  	s9 =	sadd.s32 $0x32000, s6;
	s11 =	sadd.s32 $0x4B000, s23;
	s8 =	sadd.s32 s7, s21  }
0x59: {  	[tilespmem:s26], [sflag:$0x2] =	stream.linear.gather [hbm4b:s11+s3], $0x6400, $0x38;
	[tilespmem:$0x19280] =	vst v63  }
0x5a: {  	p1 =	sne.s32 s6, $0xEA6000;
	s6 =	sadd.s32 $0xFFFFFCE0, s5  }
0x5b: {  	[tilespmem:s28], [sflag:$0x2] =	stream.linear.gather [hbm4b:s6+s3], $0x100, $0x38;
	[tilespmem:$0x19280] =	vst v63  }
0x5c: {  	_ =	swait.ge [sflag:s24], $0x6400  }
0x5d: {  	[sflag:s24] =	ssyncset.done $0x0  }
0x5e: {  	[sflag:s24] =	ssyncadd.s32 $0xFFFF9C00  }
0x5f: {  	_ =	swait.ge [sflag:s24], $0x100  }
0x60: {  	[sflag:s24] =	ssyncset.done $0x0  }
0x61: {  	[sflag:s24] =	ssyncadd.s32 $0xFFFFFF00  }
0x62: {  	_ =	swait.ge [sflag:s0], $0x6400  }
0x63: {  	s6 =	sadd.s32 s4, s22;
	s4 =	smov.u32 s7;
	[sflag:s0] =	ssyncset.done $0x0  }
0x64: {  	s7 =	sadd.s32 $0x32000, s6;
	[sflag:s0] =	ssyncadd.s32 $0xFFFF9C00  }
0x65: {  	[hbm4b:s7+s3] =	stream.linear.scatter [tilespmem:s29], [sflag:$0x3], $0x6400, $0x38;
	[tilespmem:$0x19280] =	vst v63  }
0x66: {  	s7 =	sadd.s32 $0x64000, s23;
	s23 =	smov.u32 s8  }
0x67: {  	[tilespmem:s3], [sflag:$0x1] =	stream.linear.gather [hbm4b:s7+s3], $0x6400, $0x38;
	[tilespmem:$0x19280] =	vst v63  }
0x68: {  	_ = 	snop  }
0x69: {  	[tilespmem:s25], [sflag:$0x1] =	stream.linear.gather [hbm4b:s5+s3], $0x100, $0x38;
	[tilespmem:$0x19280] =	vst v63  }
0x6a: {  	_ =	swait.ge [sflag:s30], $0x6400  }
0x6b: {  	[sflag:s30] =	ssyncset.done $0x0  }
0x6c: {  	[sflag:s30] =	ssyncadd.s32 $0xFFFF9C00  }
0x6d: {  	_ =	swait.ge [sflag:s30], $0x100  }
.Ltmp0:
0x6e: {  	[sflag:s30] =	ssyncset.done $0x0;
	(pc) =	sbr.rel @p1 .LBB2_2-.Ltmp0, $4  }
0x6f: {  	[sflag:s30] =	ssyncadd.s32 $0xFFFFFF00  }
0x70: {  	_ =	swait.ge [sflag:s1], $0x6400  }
0x71: {  	s7 =	sadd.s32 $0x4B000, s6;
	[sflag:s1] =	ssyncset.done $0x0  }
0x72: {  	s6 =	smov.u32 s9;
	s5 =	sadd.s32 $0x640, s5;
	[sflag:s1] =	ssyncadd.s32 $0xFFFF9C00  }
0x73: {  	[hbm4b:s7+s3] =	stream.linear.scatter [tilespmem:s31], [sflag:$0x4], $0x6400, $0x38;
	[tilespmem:$0x19280] =	vst v63  }
0x74: {  	s6 =	sadd.s32 $0x4B000, s23  }
0x75: {  	[tilespmem:s26], [sflag:$0x2] =	stream.linear.gather [hbm4b:s6+s3], $0x6400, $0x38;
	[tilespmem:$0x19280] =	vst v63  }
0x76: {  	s8 =	sadd.s32 $0xFFFFFCE0, s5  }
0x77: {  	[tilespmem:s28], [sflag:$0x2] =	stream.linear.gather [hbm4b:s8+s3], $0x100, $0x38;
	[tilespmem:$0x19280] =	vst v63  }
0x78: {  	_ =	swait.ge [sflag:s24], $0x6400  }
0x79: {  	[sflag:s24] =	ssyncset.done $0x0  }
0x7a: {  	[sflag:s24] =	ssyncadd.s32 $0xFFFF9C00  }
0x7b: {  	_ =	swait.ge [sflag:s24], $0x100  }
0x7c: {  	[sflag:s24] =	ssyncset.done $0x0  }
0x7d: {  	[sflag:s24] =	ssyncadd.s32 $0xFFFFFF00  }
0x7e: {  	_ =	swait.ge [sflag:s0], $0x6400  }
0x7f: {  	s4 =	sadd.s32 s4, s22;
	[sflag:s0] =	ssyncset.done $0x0  }
0x80: {  	s9 =	sadd.s32 $0x32000, s4;
	[sflag:s0] =	ssyncadd.s32 $0xFFFF9C00  }
0x81: {  	[hbm4b:s9+s3] =	stream.linear.scatter [tilespmem:s29], [sflag:$0x3], $0x6400, $0x38;
	[tilespmem:$0x19280] =	vst v63  }
0x82: {  	s11 =	sadd.s32 $0x64000, s23  }
0x83: {  	[tilespmem:s3], [sflag:$0x1] =	stream.linear.gather [hbm4b:s11+s3], $0x6400, $0x38;
	[tilespmem:$0x19280] =	vst v63  }
0x84: {  	_ = 	snop  }
0x85: {  	[tilespmem:s25], [sflag:$0x1] =	stream.linear.gather [hbm4b:s5+s3], $0x100, $0x38;
	[tilespmem:$0x19280] =	vst v63  }
0x86: {  	_ =	swait.ge [sflag:s30], $0x6400  }
0x87: {  	[sflag:s30] =	ssyncset.done $0x0  }
0x88: {  	[sflag:s30] =	ssyncadd.s32 $0xFFFF9C00  }
0x89: {  	_ =	swait.ge [sflag:s30], $0x100  }
0x8a: {  	[sflag:s30] =	ssyncset.done $0x0  }
0x8b: {  	[sflag:s30] =	ssyncadd.s32 $0xFFFFFF00  }
0x8c: {  	_ =	swait.ge [sflag:s1], $0x6400  }
0x8d: {  	[sflag:s1] =	ssyncset.done $0x0  }
0x8e: {  	s4 =	sadd.s32 $0x4B000, s4;
	[sflag:s1] =	ssyncadd.s32 $0xFFFF9C00  }
0x8f: {  	[hbm4b:s4+s3] =	stream.linear.scatter [tilespmem:s31], [sflag:$0x4], $0x6400, $0x38;
	[tilespmem:$0x19280] =	vst v63  }
0x90: {  	_ = 	snop  }
0x91: {  	[tilespmem:s26], [sflag:$0x2] =	stream.linear.gather [hbm4b:s14+s3], $0x6400, $0x38;
	[tilespmem:$0x19280] =	vst v63  }
0x92: {  	_ = 	snop  }
0x93: {  	[tilespmem:s28], [sflag:$0x2] =	stream.linear.gather [hbm4b:s15+s3], $0x100, $0x38;
	[tilespmem:$0x19280] =	vst v63  }
0x94: {  	_ =	swait.ge [sflag:s24], $0x6400  }
0x95: {  	[sflag:s24] =	ssyncset.done $0x0  }
0x96: {  	[sflag:s24] =	ssyncadd.s32 $0xFFFF9C00  }
0x97: {  	_ =	swait.ge [sflag:s24], $0x100  }
0x98: {  	[sflag:s24] =	ssyncset.done $0x0  }
0x99: {  	[sflag:s24] =	ssyncadd.s32 $0xFFFFFF00  }
0x9a: {  	_ =	swait.ge [sflag:s0], $0x6400  }
0x9b: {  	[sflag:s0] =	ssyncset.done $0x0  }
0x9c: {  	[sflag:s0] =	ssyncadd.s32 $0xFFFF9C00  }
0x9d: {  	[hbm4b:s16+s3] =	stream.linear.scatter [tilespmem:s29], [sflag:$0x3], $0x6400, $0x38;
	[tilespmem:$0x19280] =	vst v63  }
0x9e: {  	s4 =	simm.s32 @!p0 $0x0  }
0x9f: {  	[tilespmem:s4], [sflag:$0x1] =	stream.linear.gather @!p0 [hbm4b:s18+s4], $0x6400, $0x38;
	[tilespmem:$0x19280] =	vst v63  }
0xa0: {  	s5 =	simm.s32 @!p0 $0x19000  }
0xa1: {  	[tilespmem:s5], [sflag:$0x1] =	stream.linear.gather @!p0 [hbm4b:s17+s4], $0x100, $0x38;
	[tilespmem:$0x19280] =	vst v63  }
0xa2: {  	_ =	swait.ge [sflag:s30], $0x6400  }
0xa3: {  	[sflag:s30] =	ssyncset.done $0x0  }
0xa4: {  	[sflag:s30] =	ssyncadd.s32 $0xFFFF9C00  }
0xa5: {  	_ =	swait.ge [sflag:s30], $0x100  }
0xa6: {  	[sflag:s30] =	ssyncset.done $0x0  }
0xa7: {  	[sflag:s30] =	ssyncadd.s32 $0xFFFFFF00  }
0xa8: {  	_ =	swait.ge [sflag:s1], $0x6400  }
0xa9: {  	[sflag:s1] =	ssyncset.done $0x0  }
0xaa: {  	s5 =	simm.s32 @!p0 $0x1;
	[sflag:s1] =	ssyncadd.s32 $0xFFFF9C00  }
0xab: {  	[hbm4b:s19+s3] =	stream.linear.scatter [tilespmem:s31], [sflag:$0x4], $0x6400, $0x38;
	[tilespmem:$0x19280] =	vst v63  }
0xac: {  	_ =	swait.ge @!p0 [sflag:s5], $0x6400  }
0xad: {  	[sflag:s5] =	ssyncset.done @!p0 $0x0  }
0xae: {  	[sflag:s5] =	ssyncadd.s32 @!p0 $0xFFFF9C00  }
0xaf: {  	_ =	swait.ge @!p0 [sflag:s5], $0x100  }
0xb0: {  	[sflag:s5] =	ssyncset.done @!p0 $0x0  }
0xb1: {  	[sflag:s5] =	ssyncadd.s32 @!p0 $0xFFFFFF00;
	s5 =	simm.s32 @!p0 $0x3  }
0xb2: {  	_ =	swait.ge @!p0 [sflag:s5], $0x6400  }
0xb3: {  	[sflag:s5] =	ssyncset.done @!p0 $0x0  }
0xb4: {  	s6 =	rddreg [dreg:$0x5];
	[sflag:s5] =	ssyncadd.s32 @!p0 $0xFFFF9C00;
	s5 =	simm.s32 @!p0 $0xC800  }
0xb5: {  	[hbm4b:s6+s4] =	stream.linear.scatter @!p0 [tilespmem:s5], [sflag:$0x3], $0x6400, $0x38;
	[tilespmem:$0x19280] =	vst v63  }
0xb6: {  	_ =	swait.ge [sflag:s1], $0x6400  }
0xb7: {  	[sflag:s1] =	ssyncset.done $0x0  }
0xb8: {  	[sflag:s1] =	ssyncadd.s32 $0xFFFF9C00  }
0xb9: {  	_ =	swait.ge [sflag:s0], $0x6400  }
0xba: {  	s2 =	sadd.s32 $0x1, s2;
	s23 =	rddreg [dreg:$0x6]  }
0xbb: {  	p1 =	sne.s32 s2, s23  }
.Ltmp1:
0xbc: {  	_ = 	snop;
	(pc) =	sbr.rel @p1 .LBB2_1-.Ltmp1, $3  }
0xbd: {  	_ =	sdelay $0x1  }
0xbe: {  	[sflag:s0] =	ssyncset.done $0x0  }
0xbf: {  	[sflag:s0] =	ssyncadd.s32 $0xFFFF9C00  }
0xc0: {  	_ =	sfence.sel $0x180000  }
0xc1: {  	[bflag:$0x0] =	sbarrier.arrive $0xFFFF  }
0xc2: {  	_ =	strace $0x90000047  }
0xc3: {  	s0 =	stileid.u32;
	[bflag:$0x2] =	sbarrier.arrive $0xFFFF  }
0xc4: {  	p0 =	sne.s32 s0, $0x0;
	s0 =	rddreg [dreg:$0x2]  }
0xc5: {  	s0 =	sadd.s32 @!p0 $0x100000, s0  }
0xc6: {  	[sflag:s0] =	ssyncadd.tile.s32 @!p0 $0x1;
	_ =	shalt  }
.Lfunc_end2:
_tile_overlayer_lowered:
.L_overlay_start_2:
0xc7: {  	(tag) =	ssettag $0x2  }
0xc8: {  	s0 =	rddreg [dreg:$0x0];
	s2 =	stileid.u32  }
0xc9: {  	s1 =	rddreg [dreg:$0x1];
	p0 =	sne.s32 s2, $0x0  }
0xca: {  	s3 =	rddreg [dreg:$0x2];
	[bflag:$0x3] =	sbarrier.arrive $0xFFFF;
	s2 =	simm.s32 @!p0 $0x1C05  }
0xcb: {  	[timem:s3], [sflag:s2] =	dma.local @!p0 [hbm:s0], s1  }
0xcc: {  	s0 =	simm.s32 @!p0 $0x5  }
0xcd: {  	_ =	swait.ge @!p0 [sflag:s0], s1  }
0xce: {  	s1 =	ssub.s32 @!p0 $0x0, s1;
	[sflag:s0] =	ssyncset.done @!p0 $0x0  }
0xcf: {  	[sflag:s0] =	ssyncadd.s32 @!p0 s1  }
0xd0: {  	[bflag:$0x3] =	sbarrier.arrive $0xFFFF  }
0xd1: {  	_ =	shalt  }

</sc_bundles>
